<compile_context>
chip_gen: v7x
topology: tpu7x:2x2x1
jax: 0.10.2.dev20260603
libtpu: 0.0.44.dev20260713+nightly
codegen_flags: <defaults>
</compile_context>

<pallas_src>
import functools

import jax
import jax.numpy as jnp
from jax import lax
from jax.experimental import pallas as pl
from jax.experimental.pallas import tpu as pltpu
from jax.experimental.pallas import tpu_sc as plsc

NC, NS = 2, 16
NW = NC * NS
CH = 128
KCH = 5


def _sc_gather(table, idx_flat):
    tok = idx_flat.shape[0]
    dp = table.shape[1]
    per_w = tok // NW
    niter = per_w // (CH * KCH)
    mesh = plsc.VectorSubcoreMesh(core_axis_name="c", subcore_axis_name="s")
    scratch = ([pltpu.VMEM((per_w,), jnp.int32)]
               + [pltpu.VMEM((CH, dp), jnp.float32) for _ in range(KCH)]
               + [pltpu.SemaphoreType.DMA for _ in range(KCH)]
               + [pltpu.SemaphoreType.DMA for _ in range(KCH)])

    @functools.partial(pl.kernel,
                       out_type=jax.ShapeDtypeStruct((tok, dp), jnp.float32),
                       mesh=mesh, scratch_types=scratch)
    def run(tab_ref, idx_ref, out_ref, idx_v, *rest):
        bufs = rest[:KCH]
        gsems = rest[KCH:2 * KCH]
        osems = rest[2 * KCH:3 * KCH]
        wid = lax.axis_index("s") * NC + lax.axis_index("c")
        base = wid * per_w
        pltpu.sync_copy(idx_ref.at[pl.ds(base, per_w)], idx_v)

        @pl.loop(0, niter)
        def _(k):
            c0 = k * KCH
            gcp = [pltpu.async_copy(
                tab_ref.at[idx_v.at[pl.ds(pl.multiple_of((c0 + i) * CH, CH), CH)]],
                bufs[i], gsems[i]) for i in range(KCH)]
            ocp = []
            for i in range(KCH):
                gcp[i].wait()
                off = pl.multiple_of(base + (c0 + i) * CH, CH)
                ocp.append(pltpu.async_copy(bufs[i], out_ref.at[pl.ds(off, CH)],
                                            osems[i]))
            for cp in ocp:
                cp.wait()

    return run(table, idx_flat)


def _tc_counts(x):
    b, l = x.shape
    db = 8

    def body(x_ref, o_ref):
        xb = x_ref[...]
        eq = (xb[:, :, None] == xb[:, None, :]).astype(jnp.float32)
        o_ref[...] = jnp.sum(eq, axis=2).reshape(db * l, 1)

    return pl.pallas_call(
        body,
        grid=(b // db,),
        in_specs=[pl.BlockSpec((db, l), lambda i: (i, 0))],
        out_specs=pl.BlockSpec((db * l, 1), lambda i: (i, 0)),
        out_shape=jax.ShapeDtypeStruct((b * l, 1), jnp.float32),
    )(x)


def _tc_reduce(g, cnt, fc1_w, fc1_b, fc2_w, fc2_b, b, l, d):
    dp = g.shape[1]
    db = 32
    r = db * l

    def body(g_ref, c_ref, w1_ref, b1_ref, w2_ref, b2_ref, o_ref):
        gb = g_ref[...]
        idf_col = gb[:, d:d + 1]
        denom = jnp.sum(idf_col.reshape(db, l, 1), axis=1, keepdims=True)
        wcol = (c_ref[...].reshape(db, l, 1) * idf_col.reshape(db, l, 1)
                / denom).reshape(r, 1)
        ws = jnp.sum((gb * wcol).reshape(db, l, dp), axis=1)
        h = lax.dot_general(ws[:, :d], w1_ref[...], (((1,), (1,)), ((), ())),
                            precision=lax.Precision.HIGHEST) + b1_ref[...]
        o_ref[...] = lax.dot_general(h, w2_ref[...], (((1,), (1,)), ((), ())),
                                     precision=lax.Precision.HIGHEST) + b2_ref[...]

    return pl.pallas_call(
        body,
        grid=(b // db,),
        in_specs=[pl.BlockSpec((r, dp), lambda i: (i, 0)),
                  pl.BlockSpec((r, 1), lambda i: (i, 0)),
                  pl.BlockSpec(fc1_w.shape, lambda i: (0, 0)),
                  pl.BlockSpec((1, fc1_b.shape[0]), lambda i: (0, 0)),
                  pl.BlockSpec(fc2_w.shape, lambda i: (0, 0)),
                  pl.BlockSpec((1, fc2_b.shape[0]), lambda i: (0, 0))],
        out_specs=pl.BlockSpec((db, d), lambda i: (i, 0)),
        out_shape=jax.ShapeDtypeStruct((b, d), jnp.float32),
    )(g, cnt, fc1_w, fc1_b.reshape(1, -1), fc2_w, fc2_b.reshape(1, -1))


def kernel(x, word_embed, idf, fc1_w, fc1_b, fc2_w, fc2_b):
    v, d = word_embed.shape
    b, l = x.shape
    dp = 128
    table = jnp.concatenate(
        [word_embed, idf[:, None], jnp.zeros((v, dp - d - 1), jnp.float32)],
        axis=1)
    g = _sc_gather(table, x.reshape(-1))
    cnt = _tc_counts(x)
    return _tc_reduce(g, cnt, fc1_w, fc1_b, fc2_w, fc2_b, b, l, d)

# --- scband reference (transcript-rebuilt; emitter-appended) ---
"""Pipeline reference for scband-document-model-81192061763867 (READ-ONLY COPY).

The authoritative reference and input builder live on the scoring server;
editing this copy changes nothing except your own understanding.
"""

import jax, jax.numpy as jnp
import numpy as np

VOCAB = 100000
B = 1024
L = 200
D = 100

def setup_inputs(seed: int = 0) -> dict:
    key = jax.random.key(seed)
    k1, k2, k3, k4, k5 = jax.random.split(key, 5)
    x = jax.random.randint(k1, (B, L), 0, VOCAB, dtype=jnp.int32)
    word_embed = jax.random.normal(k2, (VOCAB, D), dtype=jnp.float32) * 0.02
    idf = jax.random.uniform(k3, (VOCAB,), dtype=jnp.float32, minval=0.5, maxval=10.0)
    fc1_w = jax.random.normal(k4, (5, D), dtype=jnp.float32) * 0.1
    fc1_b = jnp.zeros((5,), dtype=jnp.float32)
    fc2_w = jax.random.normal(k5, (D, 5), dtype=jnp.float32) * 0.1
    fc2_b = jnp.zeros((D,), dtype=jnp.float32)
    return {"x": x, "word_embed": word_embed, "idf": idf,
            "fc1_w": fc1_w, "fc1_b": fc1_b, "fc2_w": fc2_w, "fc2_b": fc2_b}

def reference(x, word_embed, idf, fc1_w, fc1_b, fc2_w, fc2_b):
    Bb, Ll = x.shape
    V = idf.shape[0]
    # tf: per-document term-frequency histogram via scatter-add (same math as
    # one-hot scatter_ + sum over sequence dim in the torch code)
    tf = jnp.zeros((Bb, V), dtype=jnp.float32).at[jnp.arange(Bb)[:, None], x].add(1.0)
    tfidf = tf * idf[None, :]
    tfidf = tfidf / jnp.sum(tfidf, axis=1, keepdims=True)
    # w[b, l] = tfidf[b, x[b, l]]  (the explicit python loop in torch)
    w = jnp.take_along_axis(tfidf, x, axis=1)
    e = jnp.take(word_embed, x, axis=0)  # embedding lookup [B, L, D]
    e = e * w[:, :, None]
    s = jnp.sum(e, axis=1)
    h = s @ fc1_w.T + fc1_b
    out = h @ fc2_w.T + fc2_b
    return out

if __name__ == "__main__":
    import jax
    _d = setup_inputs()
    print(jax.jit(kernel)(*tuple(_d.values())))

</pallas_src>

<mosaic_0001>
#map = affine_map<(d0, d1) -> (0, 0)>
#map1 = affine_map<(d0, d1) -> (0)>
module attributes {stable_mosaic.version = 14 : i64} {
  func.func @run(%arg0: i32, %arg1: i32, %arg2: memref<100000x128xf32, #tpu.memory_space<hbm>>, %arg3: memref<204800xi32, #tpu.memory_space<hbm>>, %arg4: memref<204800x128xf32, #tpu.memory_space<hbm>>, %arg5: memref<6400xi32, #tpu.memory_space<vmem>>, %arg6: memref<128x128xf32, #tpu.memory_space<vmem>>, %arg7: memref<128x128xf32, #tpu.memory_space<vmem>>, %arg8: memref<128x128xf32, #tpu.memory_space<vmem>>, %arg9: memref<128x128xf32, #tpu.memory_space<vmem>>, %arg10: memref<128x128xf32, #tpu.memory_space<vmem>>, %arg11: memref<!tpu.dma_semaphore, #tpu.memory_space<semaphore_mem>>, %arg12: memref<!tpu.dma_semaphore, #tpu.memory_space<semaphore_mem>>, %arg13: memref<!tpu.dma_semaphore, #tpu.memory_space<semaphore_mem>>, %arg14: memref<!tpu.dma_semaphore, #tpu.memory_space<semaphore_mem>>, %arg15: memref<!tpu.dma_semaphore, #tpu.memory_space<semaphore_mem>>, %arg16: memref<!tpu.dma_semaphore, #tpu.memory_space<semaphore_mem>>, %arg17: memref<!tpu.dma_semaphore, #tpu.memory_space<semaphore_mem>>, %arg18: memref<!tpu.dma_semaphore, #tpu.memory_space<semaphore_mem>>, %arg19: memref<!tpu.dma_semaphore, #tpu.memory_space<semaphore_mem>>, %arg20: memref<!tpu.dma_semaphore, #tpu.memory_space<semaphore_mem>>) attributes {dimension_semantics = [#tpu.dimension_semantics<core_parallel>, #tpu.dimension_semantics<subcore_parallel>], iteration_bounds = array<i64: 2, 16>, scalar_prefetch = 0 : i64, scratch_operands = 16 : i64, tpu.core_type = #tpu.core_type<sc_vector_subcore>, window_params = [{transform_indices = #map}, {transform_indices = #map1}, {transform_indices = #map}]} {
    %mul3A = arith.constant 2 : i32
    %mul3A_0 = arith.muli %arg1, %mul3A : i32
    %add3A = arith.addi %mul3A_0, %arg0 : i32
    %mul3A_1 = arith.constant 6400 : i32
    %mul3A_2 = arith.muli %add3A, %mul3A_1 : i32
    "tpu.region"() ({
      %run_scoped3A = tpu.sem_alloc : memref<!tpu.dma_semaphore, #tpu.memory_space<semaphore_mem>>
      %dma_start3A = tpu.memref_slice %arg3[%mul3A_2] : memref<204800xi32, #tpu.memory_space<hbm>> -> memref<6400xi32, #tpu.memory_space<hbm>>
      %dma_start3A_7 = tpu.memref_slice %arg3[%mul3A_2] : memref<204800xi32, #tpu.memory_space<hbm>> -> memref<6400xi32, #tpu.memory_space<hbm>>
      tpu.enqueue_dma source(%dma_start3A_7 : memref<6400xi32, #tpu.memory_space<hbm>>) target(%arg5 : memref<6400xi32, #tpu.memory_space<vmem>>) target_semaphore(%run_scoped3A : memref<!tpu.dma_semaphore, #tpu.memory_space<semaphore_mem>>)
      %dma_wait3A = tpu.memref_slice %arg3[%mul3A_2] : memref<204800xi32, #tpu.memory_space<hbm>> -> memref<6400xi32, #tpu.memory_space<hbm>>
      %dma_wait3A_8 = tpu.memref_slice %arg3[%mul3A_2] : memref<204800xi32, #tpu.memory_space<hbm>> -> memref<6400xi32, #tpu.memory_space<hbm>>
      tpu.wait_dma2 semaphore(%run_scoped3A : memref<!tpu.dma_semaphore, #tpu.memory_space<semaphore_mem>>) src(%dma_wait3A_8 : memref<6400xi32, #tpu.memory_space<hbm>>) dst(%arg5 : memref<6400xi32, #tpu.memory_space<vmem>>)
      tpu.yield
    }) : () -> ()
    %scan3A = arith.constant 0 : i32
    %scan3A_3 = arith.constant 10 : i32
    %scan3A_4 = arith.addi %scan3A, %scan3A_3 : i32
    %scan3A_5 = arith.constant 1 : i32
    scf.for %scan3A_7 = %scan3A to %scan3A_4 step %scan3A_5  : i32 {
      %mul3A_8 = arith.constant 1 : i32
      %mul3A_9 = arith.muli %scan3A_7, %mul3A_8 : i32
      %add3A_10 = arith.constant 0 : i32
      %add3A_11 = arith.addi %add3A_10, %mul3A_9 : i32
      %mul3A_12 = arith.constant 5 : i32
      %mul3A_13 = arith.muli %add3A_11, %mul3A_12 : i32
      %add3A_14 = arith.constant 0 : i32
      %add3A_15 = arith.addi %mul3A_13, %add3A_14 : i32
      %mul3A_16 = arith.constant 128 : i32
      %mul3A_17 = arith.muli %add3A_15, %mul3A_16 : i32
      %multiple_of3A = tpu.assume_multiple %mul3A_17, 128 : i32
      %dma_start3A = tpu.memref_slice %arg5[%multiple_of3A] : memref<6400xi32, #tpu.memory_space<vmem>> -> memref<128xi32, #tpu.memory_space<vmem>>
      %dma_start3A_18 = arith.constant 0 : i32
      %dma_start3A_19 = arith.constant 0 : i32
      %dma_start3A_20 = tpu.memref_slice %arg2[%dma_start3A_18, %dma_start3A_19] : memref<100000x128xf32, #tpu.memory_space<hbm>> -> memref<100000x128xf32, #tpu.memory_space<hbm>>
      tpu.enqueue_indirect_dma source(%dma_start3A_20 : memref<100000x128xf32, #tpu.memory_space<hbm>>) target(%arg6 : memref<128x128xf32, #tpu.memory_space<vmem>>) offsets(%dma_start3A : memref<128xi32, #tpu.memory_space<vmem>>) semaphore(%arg11 : memref<!tpu.dma_semaphore, #tpu.memory_space<semaphore_mem>>)
      %add3A_21 = arith.constant 1 : i32
      %add3A_22 = arith.addi %mul3A_13, %add3A_21 : i32
      %mul3A_23 = arith.constant 128 : i32
      %mul3A_24 = arith.muli %add3A_22, %mul3A_23 : i32
      %multiple_of3A_25 = tpu.assume_multiple %mul3A_24, 128 : i32
      %dma_start3A_26 = tpu.memref_slice %arg5[%multiple_of3A_25] : memref<6400xi32, #tpu.memory_space<vmem>> -> memref<128xi32, #tpu.memory_space<vmem>>
      %dma_start3A_27 = arith.constant 0 : i32
      %dma_start3A_28 = arith.constant 0 : i32
      %dma_start3A_29 = tpu.memref_slice %arg2[%dma_start3A_27, %dma_start3A_28] : memref<100000x128xf32, #tpu.memory_space<hbm>> -> memref<100000x128xf32, #tpu.memory_space<hbm>>
      tpu.enqueue_indirect_dma source(%dma_start3A_29 : memref<100000x128xf32, #tpu.memory_space<hbm>>) target(%arg7 : memref<128x128xf32, #tpu.memory_space<vmem>>) offsets(%dma_start3A_26 : memref<128xi32, #tpu.memory_space<vmem>>) semaphore(%arg12 : memref<!tpu.dma_semaphore, #tpu.memory_space<semaphore_mem>>)
      %add3A_30 = arith.constant 2 : i32
      %add3A_31 = arith.addi %mul3A_13, %add3A_30 : i32
      %mul3A_32 = arith.constant 128 : i32
      %mul3A_33 = arith.muli %add3A_31, %mul3A_32 : i32
      %multiple_of3A_34 = tpu.assume_multiple %mul3A_33, 128 : i32
      %dma_start3A_35 = tpu.memref_slice %arg5[%multiple_of3A_34] : memref<6400xi32, #tpu.memory_space<vmem>> -> memref<128xi32, #tpu.memory_space<vmem>>
      %dma_start3A_36 = arith.constant 0 : i32
      %dma_start3A_37 = arith.constant 0 : i32
      %dma_start3A_38 = tpu.memref_slice %arg2[%dma_start3A_36, %dma_start3A_37] : memref<100000x128xf32, #tpu.memory_space<hbm>> -> memref<100000x128xf32, #tpu.memory_space<hbm>>
      tpu.enqueue_indirect_dma source(%dma_start3A_38 : memref<100000x128xf32, #tpu.memory_space<hbm>>) target(%arg8 : memref<128x128xf32, #tpu.memory_space<vmem>>) offsets(%dma_start3A_35 : memref<128xi32, #tpu.memory_space<vmem>>) semaphore(%arg13 : memref<!tpu.dma_semaphore, #tpu.memory_space<semaphore_mem>>)
      %add3A_39 = arith.constant 3 : i32
      %add3A_40 = arith.addi %mul3A_13, %add3A_39 : i32
      %mul3A_41 = arith.constant 128 : i32
      %mul3A_42 = arith.muli %add3A_40, %mul3A_41 : i32
      %multiple_of3A_43 = tpu.assume_multiple %mul3A_42, 128 : i32
      %dma_start3A_44 = tpu.memref_slice %arg5[%multiple_of3A_43] : memref<6400xi32, #tpu.memory_space<vmem>> -> memref<128xi32, #tpu.memory_space<vmem>>
      %dma_start3A_45 = arith.constant 0 : i32
      %dma_start3A_46 = arith.constant 0 : i32
      %dma_start3A_47 = tpu.memref_slice %arg2[%dma_start3A_45, %dma_start3A_46] : memref<100000x128xf32, #tpu.memory_space<hbm>> -> memref<100000x128xf32, #tpu.memory_space<hbm>>
      tpu.enqueue_indirect_dma source(%dma_start3A_47 : memref<100000x128xf32, #tpu.memory_space<hbm>>) target(%arg9 : memref<128x128xf32, #tpu.memory_space<vmem>>) offsets(%dma_start3A_44 : memref<128xi32, #tpu.memory_space<vmem>>) semaphore(%arg14 : memref<!tpu.dma_semaphore, #tpu.memory_space<semaphore_mem>>)
      %add3A_48 = arith.constant 4 : i32
      %add3A_49 = arith.addi %mul3A_13, %add3A_48 : i32
      %mul3A_50 = arith.constant 128 : i32
      %mul3A_51 = arith.muli %add3A_49, %mul3A_50 : i32
      %multiple_of3A_52 = tpu.assume_multiple %mul3A_51, 128 : i32
      %dma_start3A_53 = tpu.memref_slice %arg5[%multiple_of3A_52] : memref<6400xi32, #tpu.memory_space<vmem>> -> memref<128xi32, #tpu.memory_space<vmem>>
      %dma_start3A_54 = arith.constant 0 : i32
      %dma_start3A_55 = arith.constant 0 : i32
      %dma_start3A_56 = tpu.memref_slice %arg2[%dma_start3A_54, %dma_start3A_55] : memref<100000x128xf32, #tpu.memory_space<hbm>> -> memref<100000x128xf32, #tpu.memory_space<hbm>>
      tpu.enqueue_indirect_dma source(%dma_start3A_56 : memref<100000x128xf32, #tpu.memory_space<hbm>>) target(%arg10 : memref<128x128xf32, #tpu.memory_space<vmem>>) offsets(%dma_start3A_53 : memref<128xi32, #tpu.memory_space<vmem>>) semaphore(%arg15 : memref<!tpu.dma_semaphore, #tpu.memory_space<semaphore_mem>>)
      %dma_wait3A = tpu.memref_slice %arg5[%multiple_of3A] : memref<6400xi32, #tpu.memory_space<vmem>> -> memref<128xi32, #tpu.memory_space<vmem>>
      %dma_wait3A_57 = arith.constant 0 : i32
      %dma_wait3A_58 = arith.constant 0 : i32
      %dma_wait3A_59 = tpu.memref_slice %arg2[%dma_wait3A_57, %dma_wait3A_58] : memref<100000x128xf32, #tpu.memory_space<hbm>> -> memref<100000x128xf32, #tpu.memory_space<hbm>>
      tpu.wait_indirect_dma semaphore(%arg11 : memref<!tpu.dma_semaphore, #tpu.memory_space<semaphore_mem>>) src(%dma_wait3A_59 : memref<100000x128xf32, #tpu.memory_space<hbm>>) dst(%arg6 : memref<128x128xf32, #tpu.memory_space<vmem>>)
      %add3A_60 = arith.constant 0 : i32
      %add3A_61 = arith.addi %mul3A_13, %add3A_60 : i32
      %mul3A_62 = arith.constant 128 : i32
      %mul3A_63 = arith.muli %add3A_61, %mul3A_62 : i32
      %add3A_64 = arith.addi %mul3A_2, %mul3A_63 : i32
      %multiple_of3A_65 = tpu.assume_multiple %add3A_64, 128 : i32
      %dma_start3A_66 = arith.constant 0 : i32
      %dma_start3A_67 = tpu.memref_slice %arg4[%multiple_of3A_65, %dma_start3A_66] : memref<204800x128xf32, #tpu.memory_space<hbm>> -> memref<128x128xf32, #tpu.memory_space<hbm>>
      %dma_start3A_68 = arith.constant 0 : i32
      %dma_start3A_69 = tpu.memref_slice %arg4[%multiple_of3A_65, %dma_start3A_68] : memref<204800x128xf32, #tpu.memory_space<hbm>> -> memref<128x128xf32, #tpu.memory_space<hbm>>
      tpu.enqueue_dma source(%arg6 : memref<128x128xf32, #tpu.memory_space<vmem>>) target(%dma_start3A_69 : memref<128x128xf32, #tpu.memory_space<hbm>>) target_semaphore(%arg16 : memref<!tpu.dma_semaphore, #tpu.memory_space<semaphore_mem>>)
      %dma_wait3A_70 = tpu.memref_slice %arg5[%multiple_of3A_25] : memref<6400xi32, #tpu.memory_space<vmem>> -> memref<128xi32, #tpu.memory_space<vmem>>
      %dma_wait3A_71 = arith.constant 0 : i32
      %dma_wait3A_72 = arith.constant 0 : i32
      %dma_wait3A_73 = tpu.memref_slice %arg2[%dma_wait3A_71, %dma_wait3A_72] : memref<100000x128xf32, #tpu.memory_space<hbm>> -> memref<100000x128xf32, #tpu.memory_space<hbm>>
      tpu.wait_indirect_dma semaphore(%arg12 : memref<!tpu.dma_semaphore, #tpu.memory_space<semaphore_mem>>) src(%dma_wait3A_73 : memref<100000x128xf32, #tpu.memory_space<hbm>>) dst(%arg7 : memref<128x128xf32, #tpu.memory_space<vmem>>)
      %add3A_74 = arith.constant 1 : i32
      %add3A_75 = arith.addi %mul3A_13, %add3A_74 : i32
      %mul3A_76 = arith.constant 128 : i32
      %mul3A_77 = arith.muli %add3A_75, %mul3A_76 : i32
      %add3A_78 = arith.addi %mul3A_2, %mul3A_77 : i32
      %multiple_of3A_79 = tpu.assume_multiple %add3A_78, 128 : i32
      %dma_start3A_80 = arith.constant 0 : i32
      %dma_start3A_81 = tpu.memref_slice %arg4[%multiple_of3A_79, %dma_start3A_80] : memref<204800x128xf32, #tpu.memory_space<hbm>> -> memref<128x128xf32, #tpu.memory_space<hbm>>
      %dma_start3A_82 = arith.constant 0 : i32
      %dma_start3A_83 = tpu.memref_slice %arg4[%multiple_of3A_79, %dma_start3A_82] : memref<204800x128xf32, #tpu.memory_space<hbm>> -> memref<128x128xf32, #tpu.memory_space<hbm>>
      tpu.enqueue_dma source(%arg7 : memref<128x128xf32, #tpu.memory_space<vmem>>) target(%dma_start3A_83 : memref<128x128xf32, #tpu.memory_space<hbm>>) target_semaphore(%arg17 : memref<!tpu.dma_semaphore, #tpu.memory_space<semaphore_mem>>)
      %dma_wait3A_84 = tpu.memref_slice %arg5[%multiple_of3A_34] : memref<6400xi32, #tpu.memory_space<vmem>> -> memref<128xi32, #tpu.memory_space<vmem>>
      %dma_wait3A_85 = arith.constant 0 : i32
      %dma_wait3A_86 = arith.constant 0 : i32
      %dma_wait3A_87 = tpu.memref_slice %arg2[%dma_wait3A_85, %dma_wait3A_86] : memref<100000x128xf32, #tpu.memory_space<hbm>> -> memref<100000x128xf32, #tpu.memory_space<hbm>>
      tpu.wait_indirect_dma semaphore(%arg13 : memref<!tpu.dma_semaphore, #tpu.memory_space<semaphore_mem>>) src(%dma_wait3A_87 : memref<100000x128xf32, #tpu.memory_space<hbm>>) dst(%arg8 : memref<128x128xf32, #tpu.memory_space<vmem>>)
      %add3A_88 = arith.constant 2 : i32
      %add3A_89 = arith.addi %mul3A_13, %add3A_88 : i32
      %mul3A_90 = arith.constant 128 : i32
      %mul3A_91 = arith.muli %add3A_89, %mul3A_90 : i32
      %add3A_92 = arith.addi %mul3A_2, %mul3A_91 : i32
      %multiple_of3A_93 = tpu.assume_multiple %add3A_92, 128 : i32
      %dma_start3A_94 = arith.constant 0 : i32
      %dma_start3A_95 = tpu.memref_slice %arg4[%multiple_of3A_93, %dma_start3A_94] : memref<204800x128xf32, #tpu.memory_space<hbm>> -> memref<128x128xf32, #tpu.memory_space<hbm>>
      %dma_start3A_96 = arith.constant 0 : i32
      %dma_start3A_97 = tpu.memref_slice %arg4[%multiple_of3A_93, %dma_start3A_96] : memref<204800x128xf32, #tpu.memory_space<hbm>> -> memref<128x128xf32, #tpu.memory_space<hbm>>
      tpu.enqueue_dma source(%arg8 : memref<128x128xf32, #tpu.memory_space<vmem>>) target(%dma_start3A_97 : memref<128x128xf32, #tpu.memory_space<hbm>>) target_semaphore(%arg18 : memref<!tpu.dma_semaphore, #tpu.memory_space<semaphore_mem>>)
      %dma_wait3A_98 = tpu.memref_slice %arg5[%multiple_of3A_43] : memref<6400xi32, #tpu.memory_space<vmem>> -> memref<128xi32, #tpu.memory_space<vmem>>
      %dma_wait3A_99 = arith.constant 0 : i32
      %dma_wait3A_100 = arith.constant 0 : i32
      %dma_wait3A_101 = tpu.memref_slice %arg2[%dma_wait3A_99, %dma_wait3A_100] : memref<100000x128xf32, #tpu.memory_space<hbm>> -> memref<100000x128xf32, #tpu.memory_space<hbm>>
      tpu.wait_indirect_dma semaphore(%arg14 : memref<!tpu.dma_semaphore, #tpu.memory_space<semaphore_mem>>) src(%dma_wait3A_101 : memref<100000x128xf32, #tpu.memory_space<hbm>>) dst(%arg9 : memref<128x128xf32, #tpu.memory_space<vmem>>)
      %add3A_102 = arith.constant 3 : i32
      %add3A_103 = arith.addi %mul3A_13, %add3A_102 : i32
      %mul3A_104 = arith.constant 128 : i32
      %mul3A_105 = arith.muli %add3A_103, %mul3A_104 : i32
      %add3A_106 = arith.addi %mul3A_2, %mul3A_105 : i32
      %multiple_of3A_107 = tpu.assume_multiple %add3A_106, 128 : i32
      %dma_start3A_108 = arith.constant 0 : i32
      %dma_start3A_109 = tpu.memref_slice %arg4[%multiple_of3A_107, %dma_start3A_108] : memref<204800x128xf32, #tpu.memory_space<hbm>> -> memref<128x128xf32, #tpu.memory_space<hbm>>
      %dma_start3A_110 = arith.constant 0 : i32
      %dma_start3A_111 = tpu.memref_slice %arg4[%multiple_of3A_107, %dma_start3A_110] : memref<204800x128xf32, #tpu.memory_space<hbm>> -> memref<128x128xf32, #tpu.memory_space<hbm>>
      tpu.enqueue_dma source(%arg9 : memref<128x128xf32, #tpu.memory_space<vmem>>) target(%dma_start3A_111 : memref<128x128xf32, #tpu.memory_space<hbm>>) target_semaphore(%arg19 : memref<!tpu.dma_semaphore, #tpu.memory_space<semaphore_mem>>)
      %dma_wait3A_112 = tpu.memref_slice %arg5[%multiple_of3A_52] : memref<6400xi32, #tpu.memory_space<vmem>> -> memref<128xi32, #tpu.memory_space<vmem>>
      %dma_wait3A_113 = arith.constant 0 : i32
      %dma_wait3A_114 = arith.constant 0 : i32
      %dma_wait3A_115 = tpu.memref_slice %arg2[%dma_wait3A_113, %dma_wait3A_114] : memref<100000x128xf32, #tpu.memory_space<hbm>> -> memref<100000x128xf32, #tpu.memory_space<hbm>>
      tpu.wait_indirect_dma semaphore(%arg15 : memref<!tpu.dma_semaphore, #tpu.memory_space<semaphore_mem>>) src(%dma_wait3A_115 : memref<100000x128xf32, #tpu.memory_space<hbm>>) dst(%arg10 : memref<128x128xf32, #tpu.memory_space<vmem>>)
      %add3A_116 = arith.constant 4 : i32
      %add3A_117 = arith.addi %mul3A_13, %add3A_116 : i32
      %mul3A_118 = arith.constant 128 : i32
      %mul3A_119 = arith.muli %add3A_117, %mul3A_118 : i32
      %add3A_120 = arith.addi %mul3A_2, %mul3A_119 : i32
      %multiple_of3A_121 = tpu.assume_multiple %add3A_120, 128 : i32
      %dma_start3A_122 = arith.constant 0 : i32
      %dma_start3A_123 = tpu.memref_slice %arg4[%multiple_of3A_121, %dma_start3A_122] : memref<204800x128xf32, #tpu.memory_space<hbm>> -> memref<128x128xf32, #tpu.memory_space<hbm>>
      %dma_start3A_124 = arith.constant 0 : i32
      %dma_start3A_125 = tpu.memref_slice %arg4[%multiple_of3A_121, %dma_start3A_124] : memref<204800x128xf32, #tpu.memory_space<hbm>> -> memref<128x128xf32, #tpu.memory_space<hbm>>
      tpu.enqueue_dma source(%arg10 : memref<128x128xf32, #tpu.memory_space<vmem>>) target(%dma_start3A_125 : memref<128x128xf32, #tpu.memory_space<hbm>>) target_semaphore(%arg20 : memref<!tpu.dma_semaphore, #tpu.memory_space<semaphore_mem>>)
      %dma_wait3A_126 = arith.constant 0 : i32
      %dma_wait3A_127 = tpu.memref_slice %arg4[%multiple_of3A_65, %dma_wait3A_126] : memref<204800x128xf32, #tpu.memory_space<hbm>> -> memref<128x128xf32, #tpu.memory_space<hbm>>
      %dma_wait3A_128 = arith.constant 0 : i32
      %dma_wait3A_129 = tpu.memref_slice %arg4[%multiple_of3A_65, %dma_wait3A_128] : memref<204800x128xf32, #tpu.memory_space<hbm>> -> memref<128x128xf32, #tpu.memory_space<hbm>>
      tpu.wait_dma2 semaphore(%arg16 : memref<!tpu.dma_semaphore, #tpu.memory_space<semaphore_mem>>) src(%arg6 : memref<128x128xf32, #tpu.memory_space<vmem>>) dst(%dma_wait3A_129 : memref<128x128xf32, #tpu.memory_space<hbm>>)
      %dma_wait3A_130 = arith.constant 0 : i32
      %dma_wait3A_131 = tpu.memref_slice %arg4[%multiple_of3A_79, %dma_wait3A_130] : memref<204800x128xf32, #tpu.memory_space<hbm>> -> memref<128x128xf32, #tpu.memory_space<hbm>>
      %dma_wait3A_132 = arith.constant 0 : i32
      %dma_wait3A_133 = tpu.memref_slice %arg4[%multiple_of3A_79, %dma_wait3A_132] : memref<204800x128xf32, #tpu.memory_space<hbm>> -> memref<128x128xf32, #tpu.memory_space<hbm>>
      tpu.wait_dma2 semaphore(%arg17 : memref<!tpu.dma_semaphore, #tpu.memory_space<semaphore_mem>>) src(%arg7 : memref<128x128xf32, #tpu.memory_space<vmem>>) dst(%dma_wait3A_133 : memref<128x128xf32, #tpu.memory_space<hbm>>)
      %dma_wait3A_134 = arith.constant 0 : i32
      %dma_wait3A_135 = tpu.memref_slice %arg4[%multiple_of3A_93, %dma_wait3A_134] : memref<204800x128xf32, #tpu.memory_space<hbm>> -> memref<128x128xf32, #tpu.memory_space<hbm>>
      %dma_wait3A_136 = arith.constant 0 : i32
      %dma_wait3A_137 = tpu.memref_slice %arg4[%multiple_of3A_93, %dma_wait3A_136] : memref<204800x128xf32, #tpu.memory_space<hbm>> -> memref<128x128xf32, #tpu.memory_space<hbm>>
      tpu.wait_dma2 semaphore(%arg18 : memref<!tpu.dma_semaphore, #tpu.memory_space<semaphore_mem>>) src(%arg8 : memref<128x128xf32, #tpu.memory_space<vmem>>) dst(%dma_wait3A_137 : memref<128x128xf32, #tpu.memory_space<hbm>>)
      %dma_wait3A_138 = arith.constant 0 : i32
      %dma_wait3A_139 = tpu.memref_slice %arg4[%multiple_of3A_107, %dma_wait3A_138] : memref<204800x128xf32, #tpu.memory_space<hbm>> -> memref<128x128xf32, #tpu.memory_space<hbm>>
      %dma_wait3A_140 = arith.constant 0 : i32
      %dma_wait3A_141 = tpu.memref_slice %arg4[%multiple_of3A_107, %dma_wait3A_140] : memref<204800x128xf32, #tpu.memory_space<hbm>> -> memref<128x128xf32, #tpu.memory_space<hbm>>
      tpu.wait_dma2 semaphore(%arg19 : memref<!tpu.dma_semaphore, #tpu.memory_space<semaphore_mem>>) src(%arg9 : memref<128x128xf32, #tpu.memory_space<vmem>>) dst(%dma_wait3A_141 : memref<128x128xf32, #tpu.memory_space<hbm>>)
      %dma_wait3A_142 = arith.constant 0 : i32
      %dma_wait3A_143 = tpu.memref_slice %arg4[%multiple_of3A_121, %dma_wait3A_142] : memref<204800x128xf32, #tpu.memory_space<hbm>> -> memref<128x128xf32, #tpu.memory_space<hbm>>
      %dma_wait3A_144 = arith.constant 0 : i32
      %dma_wait3A_145 = tpu.memref_slice %arg4[%multiple_of3A_121, %dma_wait3A_144] : memref<204800x128xf32, #tpu.memory_space<hbm>> -> memref<128x128xf32, #tpu.memory_space<hbm>>
      tpu.wait_dma2 semaphore(%arg20 : memref<!tpu.dma_semaphore, #tpu.memory_space<semaphore_mem>>) src(%arg10 : memref<128x128xf32, #tpu.memory_space<vmem>>) dst(%dma_wait3A_145 : memref<128x128xf32, #tpu.memory_space<hbm>>)
    }
    %scan3A_6 = arith.constant 10 : i32
    return
  }
}

module attributes {stable_mosaic.version = 14 : i64} {
  func.func @body(%arg0: i32, %arg1: memref<8x200xi32, #tpu.memory_space<vmem>>, %arg2: memref<1600x1xf32, #tpu.memory_space<vmem>>) attributes {dimension_semantics = [#tpu.dimension_semantics<arbitrary>], iteration_bounds = array<i64: 128>, scalar_prefetch = 0 : i64, scratch_operands = 0 : i64, tpu.core_type = #tpu.core_type<tc>, window_params = [{transform_indices = @transform_0, window_bounds = array<i64: 8, 200>}, {transform_indices = @transform_1, window_bounds = array<i64: 1600, 1>}]} {
    %get3A = arith.constant 0 : index
    %get3A_0 = arith.constant 0 : index
    %get3A_1 = vector.load %arg1[%get3A, %get3A_0] : memref<8x200xi32, #tpu.memory_space<vmem>>, vector<8x200xi32>
    %broadcast_in_dim3A = vector.shape_cast %get3A_1 : vector<8x200xi32> to vector<8x200x1xi32>
    %broadcast_in_dim3A_2 = vector.shape_cast %get3A_1 : vector<8x200xi32> to vector<8x1x200xi32>
    %eq3A = vector.broadcast %broadcast_in_dim3A : vector<8x200x1xi32> to vector<8x200x200xi32>
    %eq3A_3 = vector.broadcast %broadcast_in_dim3A_2 : vector<8x1x200xi32> to vector<8x200x200xi32>
    %eq3A_4 = arith.cmpi eq, %eq3A, %eq3A_3 : vector<8x200x200xi32>
    %convert_element_type3A = arith.extui %eq3A_4 : vector<8x200x200xi1> to vector<8x200x200xi32>
    %convert_element_type3A_5 = arith.sitofp %convert_element_type3A : vector<8x200x200xi32> to vector<8x200x200xf32>
    %reduce_sum3A = arith.constant dense<0.000000e+00> : vector<8x200xf32>
    %reduce_sum3A_6 = vector.multi_reduction <add>, %convert_element_type3A_5, %reduce_sum3A [2] : vector<8x200x200xf32> to vector<8x200xf32>
    %reshape3A = vector.shape_cast %reduce_sum3A_6 : vector<8x200xf32> to vector<1600x1xf32>
    %swap3A = arith.constant 0 : index
    %swap3A_7 = arith.constant 0 : index
    %swap3A_8 = vector.load %arg2[%swap3A, %swap3A_7] : memref<1600x1xf32, #tpu.memory_space<vmem>>, vector<1600x1xf32>
    tpu.vector_store %arg2[%swap3A, %swap3A_7], %reshape3A {strides = array<i32>} : memref<1600x1xf32, #tpu.memory_space<vmem>>, vector<1600x1xf32>,
    return
  }
  func.func @transform_0(%arg0: i32) -> (i32, i32) {
    %c0_i32 = arith.constant 0 : i32
    %c0_i32_0 = arith.constant 0 : i32
    return %arg0, %c0_i32 : i32, i32
  }
  func.func @transform_1(%arg0: i32) -> (i32, i32) {
    %c0_i32 = arith.constant 0 : i32
    %c0_i32_0 = arith.constant 0 : i32
    return %arg0, %c0_i32 : i32, i32
  }
}

module attributes {stable_mosaic.version = 14 : i64} {
  func.func @body(%arg0: i32, %arg1: memref<6400x128xf32, #tpu.memory_space<vmem>>, %arg2: memref<6400x1xf32, #tpu.memory_space<vmem>>, %arg3: memref<5x100xf32, #tpu.memory_space<vmem>>, %arg4: memref<1x5xf32, #tpu.memory_space<vmem>>, %arg5: memref<100x5xf32, #tpu.memory_space<vmem>>, %arg6: memref<1x100xf32, #tpu.memory_space<vmem>>, %arg7: memref<32x100xf32, #tpu.memory_space<vmem>>) attributes {dimension_semantics = [#tpu.dimension_semantics<arbitrary>], iteration_bounds = array<i64: 32>, scalar_prefetch = 0 : i64, scratch_operands = 0 : i64, tpu.core_type = #tpu.core_type<tc>, window_params = [{transform_indices = @transform_0, window_bounds = array<i64: 6400, 128>}, {transform_indices = @transform_1, window_bounds = array<i64: 6400, 1>}, {pipeline_mode = #tpu.pipeline_mode<synchronous>, transform_indices = @transform_2, window_bounds = array<i64: 5, 100>}, {pipeline_mode = #tpu.pipeline_mode<synchronous>, transform_indices = @transform_3, window_bounds = array<i64: 1, 5>}, {pipeline_mode = #tpu.pipeline_mode<synchronous>, transform_indices = @transform_4, window_bounds = array<i64: 100, 5>}, {pipeline_mode = #tpu.pipeline_mode<synchronous>, transform_indices = @transform_5, window_bounds = array<i64: 1, 100>}, {transform_indices = @transform_6, window_bounds = array<i64: 32, 100>}]} {
    %get3A = arith.constant 0 : index
    %get3A_0 = arith.constant 0 : index
    %get3A_1 = vector.load %arg1[%get3A, %get3A_0] : memref<6400x128xf32, #tpu.memory_space<vmem>>, vector<6400x128xf32>
    %slice3A = vector.extract_strided_slice %get3A_1 {offsets = [0, 100], sizes = [6400, 1], strides = [1, 1]} : vector<6400x128xf32> to vector<6400x1xf32>
    %reshape3A = vector.shape_cast %slice3A : vector<6400x1xf32> to vector<32x200x1xf32>
    %reduce_sum3A = arith.constant dense<0.000000e+00> : vector<32x1xf32>
    %reduce_sum3A_2 = vector.multi_reduction <add>, %reshape3A, %reduce_sum3A [1] : vector<32x200x1xf32> to vector<32x1xf32>
    %broadcast_in_dim3A = vector.shape_cast %reduce_sum3A_2 : vector<32x1xf32> to vector<32x1x1xf32>
    %get3A_3 = arith.constant 0 : index
    %get3A_4 = arith.constant 0 : index
    %get3A_5 = vector.load %arg2[%get3A_3, %get3A_4] : memref<6400x1xf32, #tpu.memory_space<vmem>>, vector<6400x1xf32>
    %reshape3A_6 = vector.shape_cast %get3A_5 : vector<6400x1xf32> to vector<32x200x1xf32>
    %reshape3A_7 = vector.shape_cast %slice3A : vector<6400x1xf32> to vector<32x200x1xf32>
    %mul3A = arith.mulf %reshape3A_6, %reshape3A_7 : vector<32x200x1xf32>
    %div3A = vector.broadcast %broadcast_in_dim3A : vector<32x1x1xf32> to vector<32x200x1xf32>
    %div3A_8 = arith.divf %mul3A, %div3A : vector<32x200x1xf32>
    %reshape3A_9 = vector.shape_cast %div3A_8 : vector<32x200x1xf32> to vector<6400x1xf32>
    %mul3A_10 = vector.broadcast %reshape3A_9 : vector<6400x1xf32> to vector<6400x128xf32>
    %mul3A_11 = arith.mulf %get3A_1, %mul3A_10 : vector<6400x128xf32>
    %reshape3A_12 = vector.shape_cast %mul3A_11 : vector<6400x128xf32> to vector<32x200x128xf32>
    %reduce_sum3A_13 = arith.constant dense<0.000000e+00> : vector<32x128xf32>
    %reduce_sum3A_14 = vector.multi_reduction <add>, %reshape3A_12, %reduce_sum3A_13 [1] : vector<32x200x128xf32> to vector<32x128xf32>
    %slice3A_15 = vector.extract_strided_slice %reduce_sum3A_14 {offsets = [0, 0], sizes = [32, 100], strides = [1, 1]} : vector<32x128xf32> to vector<32x100xf32>
    %get3A_16 = arith.constant 0 : index
    %get3A_17 = arith.constant 0 : index
    %get3A_18 = vector.load %arg3[%get3A_16, %get3A_17] : memref<5x100xf32, #tpu.memory_space<vmem>>, vector<5x100xf32>
    %dot_general3A = arith.constant dense<0.000000e+00> : vector<32x5xf32>
    %dot_general3A_19 = tpu.matmul %slice3A_15, %get3A_18, %dot_general3A {dimension_numbers = #tpu.dot_dimension_numbers<[1], [1], [0], [0], [0, 0, 1, 0], [], []>, precision = #tpu.contract_precision<fp32>, transpose_lhs_hint = false} : vector<32x100xf32>, vector<5x100xf32>, vector<32x5xf32> -> vector<32x5xf32>
    %get3A_20 = arith.constant 0 : index
    %get3A_21 = arith.constant 0 : index
    %get3A_22 = vector.load %arg4[%get3A_20, %get3A_21] : memref<1x5xf32, #tpu.memory_space<vmem>>, vector<1x5xf32>
    %add3A = vector.broadcast %get3A_22 : vector<1x5xf32> to vector<32x5xf32>
    %add3A_23 = arith.addf %dot_general3A_19, %add3A : vector<32x5xf32>
    %get3A_24 = arith.constant 0 : index
    %get3A_25 = arith.constant 0 : index
    %get3A_26 = vector.load %arg5[%get3A_24, %get3A_25] : memref<100x5xf32, #tpu.memory_space<vmem>>, vector<100x5xf32>
    %dot_general3A_27 = arith.constant dense<0.000000e+00> : vector<32x100xf32>
    %dot_general3A_28 = tpu.matmul %add3A_23, %get3A_26, %dot_general3A_27 {dimension_numbers = #tpu.dot_dimension_numbers<[1], [1], [0], [0], [0, 0, 1, 0], [], []>, precision = #tpu.contract_precision<fp32>, transpose_lhs_hint = false} : vector<32x5xf32>, vector<100x5xf32>, vector<32x100xf32> -> vector<32x100xf32>
    %get3A_29 = arith.constant 0 : index
    %get3A_30 = arith.constant 0 : index
    %get3A_31 = vector.load %arg6[%get3A_29, %get3A_30] : memref<1x100xf32, #tpu.memory_space<vmem>>, vector<1x100xf32>
    %add3A_32 = vector.broadcast %get3A_31 : vector<1x100xf32> to vector<32x100xf32>
    %add3A_33 = arith.addf %dot_general3A_28, %add3A_32 : vector<32x100xf32>
    %swap3A = arith.constant 0 : index
    %swap3A_34 = arith.constant 0 : index
    %swap3A_35 = vector.load %arg7[%swap3A, %swap3A_34] : memref<32x100xf32, #tpu.memory_space<vmem>>, vector<32x100xf32>
    tpu.vector_store %arg7[%swap3A, %swap3A_34], %add3A_33 {strides = array<i32>} : memref<32x100xf32, #tpu.memory_space<vmem>>, vector<32x100xf32>,
    return
  }
  func.func @transform_0(%arg0: i32) -> (i32, i32) {
    %c0_i32 = arith.constant 0 : i32
    %c0_i32_0 = arith.constant 0 : i32
    return %arg0, %c0_i32 : i32, i32
  }
  func.func @transform_1(%arg0: i32) -> (i32, i32) {
    %c0_i32 = arith.constant 0 : i32
    %c0_i32_0 = arith.constant 0 : i32
    return %arg0, %c0_i32 : i32, i32
  }
  func.func @transform_2(%arg0: i32) -> (i32, i32) {
    %c0_i32 = arith.constant 0 : i32
    %c0_i32_0 = arith.constant 0 : i32
    %c0_i32_1 = arith.constant 0 : i32
    return %c0_i32, %c0_i32_0 : i32, i32
  }
  func.func @transform_3(%arg0: i32) -> (i32, i32) {
    %c0_i32 = arith.constant 0 : i32
    %c0_i32_0 = arith.constant 0 : i32
    %c0_i32_1 = arith.constant 0 : i32
    return %c0_i32, %c0_i32_0 : i32, i32
  }
  func.func @transform_4(%arg0: i32) -> (i32, i32) {
    %c0_i32 = arith.constant 0 : i32
    %c0_i32_0 = arith.constant 0 : i32
    %c0_i32_1 = arith.constant 0 : i32
    return %c0_i32, %c0_i32_0 : i32, i32
  }
  func.func @transform_5(%arg0: i32) -> (i32, i32) {
    %c0_i32 = arith.constant 0 : i32
    %c0_i32_0 = arith.constant 0 : i32
    %c0_i32_1 = arith.constant 0 : i32
    return %c0_i32, %c0_i32_0 : i32, i32
  }
  func.func @transform_6(%arg0: i32) -> (i32, i32) {
    %c0_i32 = arith.constant 0 : i32
    %c0_i32_0 = arith.constant 0 : i32
    return %arg0, %c0_i32 : i32, i32
  }
}

</mosaic_0001>

<sc_bundles>
// kernel: kernel.5.cloned.1.call-start
scs
__scs_entry_jumppad:
0x0: {  	(pc) =	sbr.rel $0x88, $3  }
0x1: {  	(tag) =	ssettag $0x0;
	lr =	simm.s32 $0x1  }
0x2: {  	[smem:$0x3F9A] =	sst lr;
	_ =	strace $0xD0000000  }
0x3: {  	_ = 	snop  }
0x4: {  	_ = 	snop  }
0x5: {  	_ = 	snop  }
0x6: {  	_ = 	snop  }
0x7: {  	_ = 	snop  }
__scs_overlays_trampoline_lowered:
0x8: {  	[smem:$0x3FA9] =	sst s0  }
0x9: {  	[smem:$0x3FAA] =	sst s1  }
0xa: {  	[smem:$0x3FAB] =	sst s2  }
0xb: {  	[smem:$0x3FAC] =	sst s3  }
0xc: {  	[smem:$0x3FAD] =	sst s4  }
0xd: {  	[smem:$0x3FAE] =	sst s5  }
0xe: {  	[smem:$0x3FAF] =	sst s6  }
0xf: {  	[smem:$0x3FB0] =	sst s7  }
0x10: {  	[smem:$0x3FB1] =	sst s8  }
0x11: {  	[smem:$0x3FB2] =	sst s9;
	s0 =	simm.s32 @!p0 $0x0  }
0x12: {  	s1 =	sld [smem:$0x3F98];
	s0 =	simm.s32 @p0 $0x1  }
0x13: {  	[smem:$0x3FB3] =	sst s0;
	s0 =	simm.s32 @!p1 $0x0  }
0x14: {  	s2 =	sld [smem:$0x3F97];
	s0 =	simm.s32 @p1 $0x1  }
0x15: {  	[smem:$0x3FB4] =	sst s0;
	s0 =	simm.s32 @!p2 $0x0  }
0x16: {  	s3 =	sld [smem:$0x3FDB];
	s0 =	simm.s32 @p2 $0x1  }
0x17: {  	s4 =	simm.s32 $0x1BF5;
	[smem:$0x3FB6] =	sst s0  }
0x18: {  	s0 =	sld [smem:$0x3F99];
	_ =	swait.ge [sflag:s4], $0x0  }
0x19: {  	s7 =	sld [smem:$0x3F9A]  }
0x1a: {  	s8 =	sadd.s32 $0xFFFFE003, lr  }
0x1b: {  	s9 =	sadd.s32 $0xFFFFFEF7, lr;
	s5 =	simm.s32 $0xFFFFFFFF;
	p2 =	slt.u32 s8, $0xFFFFF086  }
0x1c: {  	p1 =	slt.u32 s9, $0xF7A;
	s5 =	simm.s32 @!p2 $0x0  }
0x1d: {  	s5 =	simm.s32 @p1 $0x1;
	p0 =	seq.s32 s7, s2  }
0x1e: {  	s7 =	smul.u32 @!p0 $0xF7A, s2;
	p2 =	seq.s32 @!p0 s5, $0x0  }
0x1f: {  	s9 =	smul.u32 $0xF7A, s1;
	s8 =	simm.s32 @!p0 $0x1BF5;
	p2 =	por !p2, p0  }
0x20: {  	[sflag:s8] =	ssyncset.s32 @!p0 $0xFFFFF086;
	s6 =	sadd.s32 @!p0 s3, s7;
	s7 =	simm.s32 @!p0 $0x108  }
0x21: {  	s3 =	sadd.s32 s3, s9;
	s6 =	sadd.s32 @!p0 $0x88, s6;
	s7 =	simm.s32 @p2 $0x1082  }
0x22: {  	[simem:s7], [sflag:s8] =	dma.local @!p0 [hbm:s6], $0xF7A  }
0x23: {  	s9 =	sor.u32 $0xD0000000, s2;
	s6 =	simm.s32 $0x108;
	_ =	swait.ge @!p0 [sflag:s8], $0x0  }
0x24: {  	s3 =	sadd.s32 $0x88, s3;
	s6 =	simm.s32 @!p1 $0x1082;
	[sflag:s4] =	ssyncset.s32 $0xFFFFF086  }
0x25: {  	[simem:s6], [sflag:s4] =	dma.local [hbm:s3], $0xF7A  }
0x26: {  	[smem:$0x3F9A] =	sst s1;
	(tag) =	ssettag s2;
	_ =	strace s9  }
0x27: {  	s1 =	sld [smem:$0x3FAA]  }
0x28: {  	s2 =	sld [smem:$0x3FAB]  }
0x29: {  	s4 =	sld [smem:$0x3FAD]  }
0x2a: {  	p0 =	seq.s32 s5, $0x0;
	s5 =	sld [smem:$0x3FAE]  }
0x2b: {  	s6 =	sld [smem:$0x3FAF]  }
0x2c: {  	s7 =	sld [smem:$0x3FB0]  }
0x2d: {  	s3 =	simm.s32 $0x108;
	s8 =	sld [smem:$0x3FB1]  }
0x2e: {  	s3 =	simm.s32 @!p0 $0x1082;
	s9 =	sld [smem:$0x3FB2]  }
0x2f: {  	lr =	sadd.s32 s0, s3;
	s0 =	sld [smem:$0x3FA9]  }
0x30: {  	s3 =	sld [smem:$0x3FAC]  }
0x31: {  	[smem:$0x3FB5] =	sst s10  }
0x32: {  	s10 =	sld [smem:$0x3FB3];
	_ =	sdelay $0x3  }
0x33: {  	p0 =	seq.s32 s10, $0x1;
	s10 =	sld [smem:$0x3FB5];
	_ =	sdelay $0x3  }
0x34: {  	[smem:$0x3FB5] =	sst s10  }
0x35: {  	s10 =	sld [smem:$0x3FB4];
	_ =	sdelay $0x3  }
0x36: {  	p1 =	seq.s32 s10, $0x1;
	s10 =	sld [smem:$0x3FB5];
	_ =	sdelay $0x3  }
0x37: {  	[smem:$0x3FB5] =	sst s10  }
0x38: {  	s10 =	sld [smem:$0x3FB6]  }
0x39: {  	_ = 	snop;
	(pc) =	sbr.ind lr, $3  }
0x3a: {  	_ = 	snop  }
0x3b: {  	_ = 	snop  }
0x3c: {  	p2 =	seq.s32 s10, $0x1;
	s10 =	sld [smem:$0x3FB5]  }
0x3d: {  	_ =	shalt  }
0x3e: {  	_ =	shalt  }
0x3f: {  	_ =	shalt  }
0x40: {  	_ =	shalt  }
0x41: {  	_ =	shalt  }
0x42: {  	_ =	shalt  }
0x43: {  	_ =	shalt  }
0x44: {  	_ =	shalt  }
0x45: {  	_ =	shalt  }
0x46: {  	_ =	shalt  }
0x47: {  	_ =	shalt  }
0x48: {  	_ =	shalt  }
0x49: {  	_ =	shalt  }
0x4a: {  	_ =	shalt  }
0x4b: {  	_ =	shalt  }
0x4c: {  	_ =	shalt  }
0x4d: {  	_ =	shalt  }
0x4e: {  	_ =	shalt  }
0x4f: {  	_ =	shalt  }
0x50: {  	_ =	shalt  }
0x51: {  	_ =	shalt  }
0x52: {  	_ =	shalt  }
0x53: {  	_ =	shalt  }
0x54: {  	_ =	shalt  }
0x55: {  	_ =	shalt  }
0x56: {  	_ =	shalt  }
0x57: {  	_ =	shalt  }
0x58: {  	_ =	shalt  }
0x59: {  	_ =	shalt  }
0x5a: {  	_ =	shalt  }
0x5b: {  	_ =	shalt  }
0x5c: {  	_ =	shalt  }
0x5d: {  	_ =	shalt  }
0x5e: {  	_ =	shalt  }
0x5f: {  	_ =	shalt  }
0x60: {  	_ =	shalt  }
0x61: {  	_ =	shalt  }
0x62: {  	_ =	shalt  }
0x63: {  	_ =	shalt  }
0x64: {  	_ =	shalt  }
0x65: {  	_ =	shalt  }
0x66: {  	_ =	shalt  }
0x67: {  	_ =	shalt  }
0x68: {  	_ =	shalt  }
0x69: {  	_ =	shalt  }
0x6a: {  	_ =	shalt  }
0x6b: {  	_ =	shalt  }
0x6c: {  	_ =	shalt  }
0x6d: {  	_ =	shalt  }
0x6e: {  	_ =	shalt  }
0x6f: {  	_ =	shalt  }
0x70: {  	_ =	shalt  }
0x71: {  	_ =	shalt  }
0x72: {  	_ =	shalt  }
0x73: {  	_ =	shalt  }
0x74: {  	_ =	shalt  }
0x75: {  	_ =	shalt  }
0x76: {  	_ =	shalt  }
0x77: {  	_ =	shalt  }
0x78: {  	_ =	shalt  }
0x79: {  	_ =	shalt  }
0x7a: {  	_ =	shalt  }
0x7b: {  	_ =	shalt  }
0x7c: {  	_ =	shalt  }
0x7d: {  	_ =	shalt  }
0x7e: {  	_ =	shalt  }
0x7f: {  	_ =	shalt  }
0x80: {  	_ =	shalt  }
0x81: {  	_ =	shalt  }
0x82: {  	_ =	shalt  }
0x83: {  	_ =	shalt  }
0x84: {  	_ =	shalt  }
0x85: {  	_ =	shalt  }
0x86: {  	_ =	shalt  }
0x87: {  	_ =	shalt  }
.Lfunc_end0:
.L_simem_size_0:
called_computation_lowered:
.L_overlay_start_0:
0x88: {  	s2 =	sld [smem:$0x3FD9]  }
0x89: {  	s3 =	sld [smem:$0x3FFE];
	_ =	sdelay $0x1  }
0x8a: {  	s1 =	srdreg.scid  }
0x8b: {  	s0 =	sand.u32 $0x1, s1  }
0x8c: {  	s16 =	sshll.u32 s0, $0xA;
	s2 =	sadd.s32 s3, s2  }
0x8d: {  	s2 =	sadd.s32 s2, s16  }
0x8e: {  	[smem:$0x3FC1] =	sst s2  }
0x8f: {  	_ = 	snop  }
0x90: {  	(tm) =	ssettm $0x1  }
0x91: {  	s17 =	sld [smem:$0x3FFB];
	_ =	sdelay $0x3  }
0x92: {  	_ =	strace s17  }
0x93: {  	s2 =	sld [smem:$0x3FFC];
	_ =	sdelay $0x3  }
0x94: {  	_ =	strace s2  }
0x95: {  	s2 =	sld [smem:$0x3FFD];
	_ =	sdelay $0x3  }
0x96: {  	_ =	strace s2  }
0x97: {  	_ =	strace $0x8FFFFFFF  }
0x98: {  	s18 =	sld [smem:$0x3FDB];
	_ =	sdelay $0x1  }
0x99: {  	s19 =	simm.s32 $_scs_section_size  }
0x9a: {  	s4 =	simm.s32 $_size__tile_overlayer_lowered;
	s5 =	simm.s32 $_tile_overlayer_lowered  }
0x9b: {  	s22 =	simm.s32 $0x1BFF;
	s21 =	sshll.u32 s5, $0x1;
	s2 =	sadd.s32 s19, s18  }
0x9c: {  	s6 =	simm.s32 $0x0;
	s20 =	sshll.u32 s4, $0x1;
	s4 =	sadd.s32 s21, s2  }
0x9d: {  	[timem:s6], [sflag:s22] =	dma.local [hbm:s4], s20  }
0x9e: {  	_ =	swait.ge [sflag:s22], s20  }
0x9f: {  	s3 =	ssub.s32 $0x0, s20;
	[sflag:s22] =	ssyncset.done $0x0  }
0xa0: {  	[sflag:s22] =	ssyncadd.s32 s3;
	_ =	sdelay $0x1  }
0xa1: {  	s23 =	simm.s32 $0x1B8B  }
0xa2: {  	_ =	swait.ge [sflag:s23], $0x1  }
0xa3: {  	[sflag:s23] =	ssyncset.done $0x0  }
0xa4: {  	s25 =	simm.s32 $0x1B8E;
	s24 =	sld [smem:$0x3FFE];
	[sflag:s23] =	ssyncadd.s32 $0xFFFFFFFF  }
0xa5: {  	s26 =	simm.s32 $execute0_lowered;
	[smem:$0x3FD2] =	sst s25  }
0xa6: {  	s4 =	sshll.u32 s26, $0x1;
	_ =	strace $0x80000046;
	[dreg:$0x1] =	wrdreg $0xFFFFFFFF  }
0xa7: {  	s28 =	simm.s32 $_size_execute0_lowered;
	s2 =	sadd.s32 s2, s4;
	[dreg:$0x0] =	wrdreg $0x0  }
0xa8: {  	s4 =	sshll.u32 s28, $0x1;
	[dreg:$0x2] =	wrdreg s2  }
0xa9: {  	[dreg:$0x3] =	wrdreg s4  }
0xaa: {  	[dreg:$0x4] =	wrdreg $0xC0  }
0xab: {  	_ =	task [dreg:s6], $0x5FFFF  }
0xac: {  	[dreg:$0x1] =	wrdreg $0xFFFFFFFF  }
0xad: {  	[dreg:$0x0] =	wrdreg $0x60  }
0xae: {  	[dreg:$0x2] =	wrdreg s24  }
0xaf: {  	[dreg:$0x3] =	wrdreg $0x9  }
0xb0: {  	_ =	task.clear_ibuf [dreg:s6], $0x4FFFF;
	_ =	strace $0x90000046  }
0xb1: {  	s29 =	simm.s32 $0x9;
	_ =	strace $0x80000048  }
0xb2: {  	_ =	swait.ge [sflag:s29], $0x1  }
0xb3: {  	[sflag:s29] =	ssyncadd.s32 $0xFFFFFFFF  }
0xb4: {  	_ =	strace $0x90000048  }
0xb5: {  	_ =	sfence  }
0xb6: {  	s30 =	sld [smem:$0x0];
	_ =	sdelay $0x2  }
0xb7: {  	s31 =	sshll.u32 s1, $0xD;
	s1 =	sshrl.u32 s1, $0x2  }
0xb8: {  	s3 =	sand.u32 $0x4000, s31;
	s1 =	sadd.s32 s1, s30  }
0xb9: {  	s0 =	sor.u32 s3, s0;
	s1 =	sshll.u32 s1, $0x11  }
0xba: {  	s0 =	sor.u32 s1, s0  }
0xbb: {  	s0 =	sadd.s32 $0x8F2B, s0  }
0xbc: {  	[sflag:s0] =	ssyncadd.remote.s32 $0x1  }
0xbd: {  	_ =	sfence.sel $0xFFFF  }
0xbe: {  	[dreg:$0x0] =	wrdreg $0xFFFFFFFF;
	(pc) =	sbr.abs _section_cstart, $3  }
0xbf: {  	[dreg:$0x1] =	wrdreg $0xFFFFFFFF  }
0xc0: {  	_ =	task.clear_ibuf [dreg:s6], $0x2FFFF;
	_ =	strace $0x9FFFFFFF  }
0xc1: {  	(tm) =	ssettm $0x7FFFFFFF  }
tec
execute0_lowered:
.L_overlay_start_1:
0x0: {  	(tag) =	ssettag $0x1  }
0x1: {  	s1 =	srdreg.scid  }
0x2: {  	s0 =	stileid.u32;
	s4 =	rddreg [dreg:$0x0]  }
0x3: {  	s2 =	simm.s32 $0x0;
	s10 =	simm.s32 $0x5900;
	s11 =	simm.s32 $0x9900  }
0x4: {  	s12 =	simm.s32 $0xD900;
	s13 =	simm.s32 $0x11900;
	s14 =	simm.s32 $0x1  }
0x5: {  	s15 =	simm.s32 $0x2;
	s16 =	simm.s32 $0x3;
	s17 =	simm.s32 $0x4  }
0x6: {  	s18 =	simm.s32 $0x5;
	s19 =	simm.s32 $0x6;
	s20 =	simm.s32 $0x7  }
0x7: {  	s21 =	simm.s32 $0x8;
	s22 =	simm.s32 $0x9;
	s23 =	simm.s32 $0xA  }
0x8: {  	s24 =	simm.s32 $0x0;
	s5 =	sand.u32 $0x1, s1;
	s1 =	rddreg [dreg:$0x1]  }
0x9: {  	s3 =	sshll.u32 s0, $0x1;
	[smem:$0x7FF] =	sst s2;
	s7 =	smul.u32 $0x32000, s0  }
0xa: {  	s3 =	sor.u32 s5, s3;
	s8 =	ssub.s32 $0x2, s5;
	s5 =	smul.u32 $0x19000, s5  }
0xb: {  	_ =	strace $0x80000047;
	s6 =	smul.u32 $0x1900, s3;
	s9 =	sshrl.u32 s8, $0x1  }
0xc: {  	s3 =	sadd.s32 $0x31C800, s4;
	s7 =	sadd.s32 s7, s4;
	s31 =	ssub.s32 s8, s9  }
0xd: {  	s7 =	sadd.s32 s5, s7;
	s8 =	simm.s32 $0x80;
	s6 =	sshrl.u32 s6, $0x3  }
0xe: {  	s9 =	simm.s32 $0x1900;
	s5 =	smax.u32 s31, $0x1;
	s4 =	sadd.s32 s6, s4  }
0xf: {  	s6 =	sadd.s32 $0x4A5200, s7;
	s7 =	simm.s32 $0xB;
	s4 =	sadd.s32 $0x9000, s4  }
.LBB2_1:
0x10: {  	[tilespmem:s2], [sflag:$0xB] =	stream.linear.gather [hbm4b:s4+s2], $0x1900, $0x38;
	[tilespmem:$0x15900] =	vst v63  }
0x11: {  	_ =	swait.ge [sflag:s7], $0x1900  }
0x12: {  	[sflag:s7] =	ssyncset.done $0x0  }
0x13: {  	s25 =	simm.s32 $0x0;
	[sflag:s7] =	ssyncadd.s32 $0xFFFFE700  }
0x14: {  	[tilespmem:s9], [sflag:$0x1] =	stream.indirect.gather [hbm4b:s3+s8], $0x80, s25, s8, $0xb8;
	[tilespmem:$0x15900] =	vst v63  }
0x15: {  	s26 =	simm.s32 $0x80  }
0x16: {  	[tilespmem:s10], [sflag:$0x2] =	stream.indirect.gather [hbm4b:s3+s8], $0x80, s26, s8, $0xb8;
	[tilespmem:$0x15900] =	vst v63  }
0x17: {  	s28 =	simm.s32 $0x100  }
0x18: {  	[tilespmem:s11], [sflag:$0x3] =	stream.indirect.gather [hbm4b:s3+s8], $0x80, s28, s8, $0xb8;
	[tilespmem:$0x15900] =	vst v63  }
0x19: {  	s30 =	simm.s32 $0x180  }
0x1a: {  	[tilespmem:s12], [sflag:$0x4] =	stream.indirect.gather [hbm4b:s3+s8], $0x80, s30, s8, $0xb8;
	[tilespmem:$0x15900] =	vst v63  }
0x1b: {  	s31 =	simm.s32 $0x200  }
0x1c: {  	[tilespmem:s13], [sflag:$0x5] =	stream.indirect.gather [hbm4b:s3+s8], $0x80, s31, s8, $0xb8;
	[tilespmem:$0x15900] =	vst v63  }
0x1d: {  	_ =	swait.ge [sflag:s14], $0x4000  }
0x1e: {  	[sflag:s14] =	ssyncset.done $0x0  }
0x1f: {  	s26 =	sadd.s32 $0xFFFFE000, s6;
	[sflag:s14] =	ssyncadd.s32 $0xFFFFC000  }
0x20: {  	[hbm4b:s26+s2] =	stream.linear.scatter [tilespmem:s9], [sflag:$0x6], $0x4000, $0x38;
	[tilespmem:$0x15900] =	vst v63  }
0x21: {  	_ =	swait.ge [sflag:s15], $0x4000  }
0x22: {  	[sflag:s15] =	ssyncset.done $0x0  }
0x23: {  	s28 =	sadd.s32 $0xFFFFE800, s6;
	[sflag:s15] =	ssyncadd.s32 $0xFFFFC000  }
0x24: {  	[hbm4b:s28+s2] =	stream.linear.scatter [tilespmem:s10], [sflag:$0x7], $0x4000, $0x38;
	[tilespmem:$0x15900] =	vst v63  }
0x25: {  	_ =	swait.ge [sflag:s16], $0x4000  }
0x26: {  	[sflag:s16] =	ssyncset.done $0x0  }
0x27: {  	s30 =	sadd.s32 $0xFFFFF000, s6;
	[sflag:s16] =	ssyncadd.s32 $0xFFFFC000  }
0x28: {  	[hbm4b:s30+s2] =	stream.linear.scatter [tilespmem:s11], [sflag:$0x8], $0x4000, $0x38;
	[tilespmem:$0x15900] =	vst v63  }
0x29: {  	_ =	swait.ge [sflag:s17], $0x4000  }
0x2a: {  	[sflag:s17] =	ssyncset.done $0x0  }
0x2b: {  	s31 =	sadd.s32 $0xFFFFF800, s6;
	[sflag:s17] =	ssyncadd.s32 $0xFFFFC000  }
0x2c: {  	[hbm4b:s31+s2] =	stream.linear.scatter [tilespmem:s12], [sflag:$0x9], $0x4000, $0x38;
	[tilespmem:$0x15900] =	vst v63  }
0x2d: {  	_ =	swait.ge [sflag:s18], $0x4000  }
0x2e: {  	[sflag:s18] =	ssyncset.done $0x0  }
0x2f: {  	[sflag:s18] =	ssyncadd.s32 $0xFFFFC000  }
0x30: {  	[hbm4b:s6+s2] =	stream.linear.scatter [tilespmem:s13], [sflag:$0xA], $0x4000, $0x38;
	[tilespmem:$0x15900] =	vst v63  }
0x31: {  	_ =	swait.ge [sflag:s19], $0x4000  }
0x32: {  	[sflag:s19] =	ssyncset.done $0x0  }
0x33: {  	[sflag:s19] =	ssyncadd.s32 $0xFFFFC000  }
0x34: {  	_ =	swait.ge [sflag:s20], $0x4000  }
0x35: {  	[sflag:s20] =	ssyncset.done $0x0  }
0x36: {  	[sflag:s20] =	ssyncadd.s32 $0xFFFFC000  }
0x37: {  	_ =	swait.ge [sflag:s21], $0x4000  }
0x38: {  	[sflag:s21] =	ssyncset.done $0x0  }
0x39: {  	[sflag:s21] =	ssyncadd.s32 $0xFFFFC000  }
0x3a: {  	_ =	swait.ge [sflag:s22], $0x4000  }
0x3b: {  	[sflag:s22] =	ssyncset.done $0x0  }
0x3c: {  	[sflag:s22] =	ssyncadd.s32 $0xFFFFC000  }
0x3d: {  	s29 =	simm.s32 $0x1400;
	_ =	swait.ge [sflag:s23], $0x4000  }
0x3e: {  	s25 =	sadd.s32 $0x2800, s6;
	s26 =	simm.s32 $0xA00;
	[sflag:s23] =	ssyncset.done $0x0  }
.LBB2_2:
0x3f: {  	s30 =	sshra.s32 s26, $0x2  }
0x40: {  	[sflag:s23] =	ssyncadd.s32 $0xFFFFC000;
	s26 =	smov.u32 s29;
	s28 =	sadd.s32 $0xA00, s29  }
0x41: {  	[tilespmem:s9], [sflag:$0x1] =	stream.indirect.gather [hbm4b:s3+s8], $0x80, s30, s8, $0xb8;
	[tilespmem:$0x15900] =	vst v63  }
0x42: {  	p0 =	sne.s32 s29, $0x5A00;
	s29 =	sadd.s32 $0x80, s30  }
0x43: {  	[tilespmem:s10], [sflag:$0x2] =	stream.indirect.gather [hbm4b:s3+s8], $0x80, s29, s8, $0xb8;
	[tilespmem:$0x15900] =	vst v63  }
0x44: {  	s29 =	sadd.s32 $0x100, s30  }
0x45: {  	[tilespmem:s11], [sflag:$0x3] =	stream.indirect.gather [hbm4b:s3+s8], $0x80, s29, s8, $0xb8;
	[tilespmem:$0x15900] =	vst v63  }
0x46: {  	s29 =	sadd.s32 $0x180, s30  }
0x47: {  	[tilespmem:s12], [sflag:$0x4] =	stream.indirect.gather [hbm4b:s3+s8], $0x80, s29, s8, $0xb8;
	[tilespmem:$0x15900] =	vst v63  }
0x48: {  	s29 =	sadd.s32 $0x200, s30  }
0x49: {  	[tilespmem:s13], [sflag:$0x5] =	stream.indirect.gather [hbm4b:s3+s8], $0x80, s29, s8, $0xb8;
	[tilespmem:$0x15900] =	vst v63  }
0x4a: {  	_ =	swait.ge [sflag:s14], $0x4000  }
0x4b: {  	[sflag:s14] =	ssyncset.done $0x0  }
0x4c: {  	s29 =	sadd.s32 $0xFFFFE000, s25;
	[sflag:s14] =	ssyncadd.s32 $0xFFFFC000  }
0x4d: {  	[hbm4b:s29+s2] =	stream.linear.scatter [tilespmem:s9], [sflag:$0x6], $0x4000, $0x38;
	[tilespmem:$0x15900] =	vst v63  }
0x4e: {  	_ =	swait.ge [sflag:s15], $0x4000  }
0x4f: {  	[sflag:s15] =	ssyncset.done $0x0  }
0x50: {  	s29 =	sadd.s32 $0xFFFFE800, s25;
	[sflag:s15] =	ssyncadd.s32 $0xFFFFC000  }
0x51: {  	[hbm4b:s29+s2] =	stream.linear.scatter [tilespmem:s10], [sflag:$0x7], $0x4000, $0x38;
	[tilespmem:$0x15900] =	vst v63  }
0x52: {  	_ =	swait.ge [sflag:s16], $0x4000  }
0x53: {  	[sflag:s16] =	ssyncset.done $0x0  }
0x54: {  	s29 =	sadd.s32 $0xFFFFF000, s25;
	[sflag:s16] =	ssyncadd.s32 $0xFFFFC000  }
0x55: {  	[hbm4b:s29+s2] =	stream.linear.scatter [tilespmem:s11], [sflag:$0x8], $0x4000, $0x38;
	[tilespmem:$0x15900] =	vst v63  }
0x56: {  	_ =	swait.ge [sflag:s17], $0x4000  }
0x57: {  	[sflag:s17] =	ssyncset.done $0x0  }
0x58: {  	s29 =	sadd.s32 $0xFFFFF800, s25;
	[sflag:s17] =	ssyncadd.s32 $0xFFFFC000  }
0x59: {  	[hbm4b:s29+s2] =	stream.linear.scatter [tilespmem:s12], [sflag:$0x9], $0x4000, $0x38;
	[tilespmem:$0x15900] =	vst v63  }
0x5a: {  	_ =	swait.ge [sflag:s18], $0x4000  }
0x5b: {  	[sflag:s18] =	ssyncset.done $0x0  }
0x5c: {  	[sflag:s18] =	ssyncadd.s32 $0xFFFFC000  }
0x5d: {  	[hbm4b:s25+s2] =	stream.linear.scatter [tilespmem:s13], [sflag:$0xA], $0x4000, $0x38;
	[tilespmem:$0x15900] =	vst v63  }
0x5e: {  	_ =	swait.ge [sflag:s19], $0x4000  }
0x5f: {  	[sflag:s19] =	ssyncset.done $0x0  }
0x60: {  	[sflag:s19] =	ssyncadd.s32 $0xFFFFC000  }
0x61: {  	_ =	swait.ge [sflag:s20], $0x4000  }
0x62: {  	[sflag:s20] =	ssyncset.done $0x0  }
0x63: {  	[sflag:s20] =	ssyncadd.s32 $0xFFFFC000  }
0x64: {  	_ =	swait.ge [sflag:s21], $0x4000  }
0x65: {  	[sflag:s21] =	ssyncset.done $0x0  }
0x66: {  	[sflag:s21] =	ssyncadd.s32 $0xFFFFC000  }
.Ltmp0:
0x67: {  	_ =	swait.ge [sflag:s22], $0x4000;
	(pc) =	sbr.rel @p0 .LBB2_2-.Ltmp0, $4  }
0x68: {  	[sflag:s22] =	ssyncset.done $0x0  }
0x69: {  	[sflag:s22] =	ssyncadd.s32 $0xFFFFC000  }
0x6a: {  	_ =	swait.ge [sflag:s23], $0x4000  }
0x6b: {  	s29 =	smov.u32 s28;
	s25 =	sadd.s32 $0x2800, s25;
	[sflag:s23] =	ssyncset.done $0x0  }
0x6c: {  	s26 =	sshra.s32 s26, $0x2;
	[sflag:s23] =	ssyncadd.s32 $0xFFFFC000  }
0x6d: {  	[tilespmem:s9], [sflag:$0x1] =	stream.indirect.gather [hbm4b:s3+s8], $0x80, s26, s8, $0xb8;
	[tilespmem:$0x15900] =	vst v63  }
0x6e: {  	s28 =	sadd.s32 $0x80, s26  }
0x6f: {  	[tilespmem:s10], [sflag:$0x2] =	stream.indirect.gather [hbm4b:s3+s8], $0x80, s28, s8, $0xb8;
	[tilespmem:$0x15900] =	vst v63  }
0x70: {  	s30 =	sadd.s32 $0x100, s26  }
0x71: {  	[tilespmem:s11], [sflag:$0x3] =	stream.indirect.gather [hbm4b:s3+s8], $0x80, s30, s8, $0xb8;
	[tilespmem:$0x15900] =	vst v63  }
0x72: {  	s31 =	sadd.s32 $0x180, s26  }
0x73: {  	[tilespmem:s12], [sflag:$0x4] =	stream.indirect.gather [hbm4b:s3+s8], $0x80, s31, s8, $0xb8;
	[tilespmem:$0x15900] =	vst v63  }
0x74: {  	s26 =	sadd.s32 $0x200, s26  }
0x75: {  	[tilespmem:s13], [sflag:$0x5] =	stream.indirect.gather [hbm4b:s3+s8], $0x80, s26, s8, $0xb8;
	[tilespmem:$0x15900] =	vst v63  }
0x76: {  	_ =	swait.ge [sflag:s14], $0x4000  }
0x77: {  	[sflag:s14] =	ssyncset.done $0x0  }
0x78: {  	s28 =	sadd.s32 $0xFFFFE000, s25;
	[sflag:s14] =	ssyncadd.s32 $0xFFFFC000  }
0x79: {  	[hbm4b:s28+s2] =	stream.linear.scatter [tilespmem:s9], [sflag:$0x6], $0x4000, $0x38;
	[tilespmem:$0x15900] =	vst v63  }
0x7a: {  	_ =	swait.ge [sflag:s15], $0x4000  }
0x7b: {  	[sflag:s15] =	ssyncset.done $0x0  }
0x7c: {  	s29 =	sadd.s32 $0xFFFFE800, s25;
	[sflag:s15] =	ssyncadd.s32 $0xFFFFC000  }
0x7d: {  	[hbm4b:s29+s2] =	stream.linear.scatter [tilespmem:s10], [sflag:$0x7], $0x4000, $0x38;
	[tilespmem:$0x15900] =	vst v63  }
0x7e: {  	_ =	swait.ge [sflag:s16], $0x4000  }
0x7f: {  	[sflag:s16] =	ssyncset.done $0x0  }
0x80: {  	s30 =	sadd.s32 $0xFFFFF000, s25;
	[sflag:s16] =	ssyncadd.s32 $0xFFFFC000  }
0x81: {  	[hbm4b:s30+s2] =	stream.linear.scatter [tilespmem:s11], [sflag:$0x8], $0x4000, $0x38;
	[tilespmem:$0x15900] =	vst v63  }
0x82: {  	_ =	swait.ge [sflag:s17], $0x4000  }
0x83: {  	[sflag:s17] =	ssyncset.done $0x0  }
0x84: {  	s31 =	sadd.s32 $0xFFFFF800, s25;
	[sflag:s17] =	ssyncadd.s32 $0xFFFFC000  }
0x85: {  	[hbm4b:s31+s2] =	stream.linear.scatter [tilespmem:s12], [sflag:$0x9], $0x4000, $0x38;
	[tilespmem:$0x15900] =	vst v63  }
0x86: {  	_ =	swait.ge [sflag:s18], $0x4000  }
0x87: {  	[sflag:s18] =	ssyncset.done $0x0  }
0x88: {  	[sflag:s18] =	ssyncadd.s32 $0xFFFFC000  }
0x89: {  	[hbm4b:s25+s2] =	stream.linear.scatter [tilespmem:s13], [sflag:$0xA], $0x4000, $0x38;
	[tilespmem:$0x15900] =	vst v63  }
0x8a: {  	_ =	swait.ge [sflag:s19], $0x4000  }
0x8b: {  	[sflag:s19] =	ssyncset.done $0x0  }
0x8c: {  	[sflag:s19] =	ssyncadd.s32 $0xFFFFC000  }
0x8d: {  	_ =	swait.ge [sflag:s20], $0x4000  }
0x8e: {  	[sflag:s20] =	ssyncset.done $0x0  }
0x8f: {  	[sflag:s20] =	ssyncadd.s32 $0xFFFFC000  }
0x90: {  	_ =	swait.ge [sflag:s21], $0x4000  }
0x91: {  	[sflag:s21] =	ssyncset.done $0x0  }
0x92: {  	s24 =	sadd.s32 $0x1, s24;
	[sflag:s21] =	ssyncadd.s32 $0xFFFFC000  }
0x93: {  	p0 =	sne.s32 s24, s5;
	_ =	swait.ge [sflag:s22], $0x4000  }
.Ltmp1:
0x94: {  	[sflag:s22] =	ssyncset.done $0x0;
	(pc) =	sbr.rel @p0 .LBB2_1-.Ltmp1, $4  }
0x95: {  	[sflag:s22] =	ssyncadd.s32 $0xFFFFC000  }
0x96: {  	_ =	swait.ge [sflag:s23], $0x4000  }
0x97: {  	[sflag:s23] =	ssyncset.done $0x0  }
0x98: {  	[sflag:s23] =	ssyncadd.s32 $0xFFFFC000  }
0x99: {  	_ =	sfence.sel $0x180000  }
0x9a: {  	[bflag:$0x0] =	sbarrier.arrive $0xFFFF  }
0x9b: {  	p0 =	sne.s32 s0, $0x0;
	_ =	strace $0x90000047  }
0x9c: {  	s0 =	sadd.s32 @!p0 $0x100000, s1;
	[bflag:$0x2] =	sbarrier.arrive $0xFFFF  }
0x9d: {  	[sflag:s0] =	ssyncadd.tile.s32 @!p0 $0x1;
	_ =	shalt  }
.Lfunc_end2:
_tile_overlayer_lowered:
.L_overlay_start_2:
0x9e: {  	(tag) =	ssettag $0x2  }
0x9f: {  	s0 =	rddreg [dreg:$0x0];
	s2 =	stileid.u32  }
0xa0: {  	s1 =	rddreg [dreg:$0x1];
	p0 =	sne.s32 s2, $0x0  }
0xa1: {  	s3 =	rddreg [dreg:$0x2];
	[bflag:$0x3] =	sbarrier.arrive $0xFFFF;
	s2 =	simm.s32 @!p0 $0x1C0B  }
0xa2: {  	[timem:s3], [sflag:s2] =	dma.local @!p0 [hbm:s0], s1  }
0xa3: {  	s0 =	simm.s32 @!p0 $0xB  }
0xa4: {  	_ =	swait.ge @!p0 [sflag:s0], s1  }
0xa5: {  	s1 =	ssub.s32 @!p0 $0x0, s1;
	[sflag:s0] =	ssyncset.done @!p0 $0x0  }
0xa6: {  	[sflag:s0] =	ssyncadd.s32 @!p0 s1  }
0xa7: {  	[bflag:$0x3] =	sbarrier.arrive $0xFFFF  }
0xa8: {  	_ =	shalt  }

</sc_bundles>
